<compile_context>
chip_gen: v7x
topology: tpu7x:2x2x1
jax: 0.10.2.dev20260603
libtpu: 0.0.44.dev20260713+nightly
codegen_flags: <defaults>
</compile_context>

<pallas_src>
import functools

import jax
import jax.numpy as jnp
from jax import lax
from jax.experimental import pallas as pl
from jax.experimental.pallas import tpu as pltpu
from jax.experimental.pallas import tpu_sc as plsc

B, C, D = 16, 512, 4096
LANES = 16
NW = 32
ROWS = B * C
CH = 4
RPW = ROWS // NW
NCH = RPW // CH


def _gather_add(x2d, gidx3):
    mesh = plsc.VectorSubcoreMesh(core_axis_name="c", subcore_axis_name="s")

    @functools.partial(
        pl.kernel,
        out_type=jax.ShapeDtypeStruct((ROWS, D), jnp.float32),
        mesh=mesh,
        scratch_types=[
            pltpu.VMEM((NCH, CH), jnp.int32),
            [pltpu.VMEM((CH, D), jnp.float32) for _ in range(2)],
            [pltpu.VMEM((CH, D), jnp.float32) for _ in range(2)],
            [pltpu.VMEM((CH, D), jnp.float32) for _ in range(2)],
            [pltpu.SemaphoreType.DMA for _ in range(2)],
            [pltpu.SemaphoreType.DMA for _ in range(2)],
            [pltpu.SemaphoreType.DMA for _ in range(2)],
        ],
    )
    def sc_kernel(x_hbm, gidx_hbm, out_hbm, idx_v, gbufs, ibufs, obufs,
                  sem_g, sem_i, sem_o):
        wid = lax.axis_index("s") * 2 + lax.axis_index("c")
        wbase = wid * RPW
        pltpu.sync_copy(gidx_hbm.at[wid], idx_v)

        def start_in(k, slot):
            pltpu.async_copy(x_hbm.at[idx_v.at[k]], gbufs[slot], sem_g[slot])
            pltpu.async_copy(
                x_hbm.at[pl.ds(wbase + k * CH, CH)], ibufs[slot], sem_i[slot]
            )

        def wait_in(slot):
            pltpu.make_async_copy(x_hbm.at[pl.ds(0, CH)], gbufs[slot],
                                  sem_g[slot]).wait()
            pltpu.make_async_copy(x_hbm.at[pl.ds(0, CH)], ibufs[slot],
                                  sem_i[slot]).wait()

        def add_chunk(slot):
            gbuf, ibuf, obuf = gbufs[slot], ibufs[slot], obufs[slot]

            def add_body(j, c2):
                off = j * LANES
                for r in range(CH):
                    obuf[r, pl.ds(off, LANES)] = (
                        ibuf[r, pl.ds(off, LANES)] + gbuf[r, pl.ds(off, LANES)]
                    )
                return c2

            lax.fori_loop(0, D // LANES, add_body, 0)

        def start_out(k, slot):
            pltpu.async_copy(
                obufs[slot], out_hbm.at[pl.ds(wbase + k * CH, CH)], sem_o[slot]
            )

        def wait_out(k, slot):
            pltpu.make_async_copy(obufs[slot],
                                  out_hbm.at[pl.ds(wbase + k * CH, CH)],
                                  sem_o[slot]).wait()

        start_in(0, 0)
        start_in(1, 1)

        def pipe_body(i, carry):
            k0 = i * 2

            def step(k, slot):
                wait_in(slot)

                @pl.when(k >= 2)
                def _():
                    wait_out(k - 2, slot)

                add_chunk(slot)
                start_out(k, slot)

                @pl.when(k + 2 < NCH)
                def _():
                    start_in(k + 2, slot)

            step(k0, 0)
            step(k0 + 1, 1)
            return carry

        lax.fori_loop(0, NCH // 2, pipe_body, 0)
        wait_out(NCH - 2, 0)
        wait_out(NCH - 1, 1)

    return sc_kernel(x2d, gidx3)


def kernel(x, W1, b1, W2, b2):
    pooled = jnp.mean(x, axis=2)
    h = pooled @ W1 + b1
    h = jnp.where(h > 0, h, 0.01 * h)
    scores = jax.nn.sigmoid(h @ W2 + b2)
    ch_order = jnp.argsort(-scores, axis=1)

    gidx = ch_order.astype(jnp.int32) + (jnp.arange(B, dtype=jnp.int32) * C)[:, None]
    out2d = _gather_add(x.reshape(ROWS, D), gidx.reshape(NW, NCH, CH))
    return out2d.reshape(B, C, D)

# --- scband reference (transcript-rebuilt; emitter-appended) ---
"""Pipeline reference for scband-cssa-47364899340391 (READ-ONLY COPY).

The authoritative reference and input builder live on the scoring server;
editing this copy changes nothing except your own understanding.
"""

import jax, jax.numpy as jnp
import numpy as np


def setup_inputs(seed: int = 0) -> dict:
    key = jax.random.key(seed)
    k1, k2, k3 = jax.random.split(key, 3)
    inc = 512
    hid = int(inc * 0.25)  # 128
    x = jax.random.normal(k1, (16, inc, 4096), dtype=jnp.float32)
    W1 = jax.random.normal(k2, (inc, hid), dtype=jnp.float32) * (1.0 / np.sqrt(inc))
    b1 = jnp.zeros((hid,), dtype=jnp.float32)
    W2 = jax.random.normal(k3, (hid, inc), dtype=jnp.float32) * (1.0 / np.sqrt(hid))
    b2 = jnp.zeros((inc,), dtype=jnp.float32)
    return {"x": x, "W1": W1, "b1": b1, "W2": W2, "b2": b2}


def reference(x, W1, b1, W2, b2):
    # AdaptiveAvgPool1d(1) over the last dim, then view(b, c)
    pooled = jnp.mean(x, axis=2)  # [b, c]
    # ch_order MLP: Linear -> LeakyReLU(0.01) -> Linear -> Sigmoid
    h = pooled @ W1 + b1
    h = jnp.where(h > 0, h, 0.01 * h)
    scores = jax.nn.sigmoid(h @ W2 + b2)  # [b, c]
    # sort_small_first=False -> descending argsort
    ch_order = jnp.argsort(-scores, axis=1)  # int order [b, c]
    # exchange: per-batch channel permutation gather
    new_x = jnp.take_along_axis(x, ch_order[:, :, None], axis=1)  # [b, c, d]
    return x + new_x

if __name__ == "__main__":
    import jax
    _d = setup_inputs()
    print(jax.jit(kernel)(*tuple(_d.values())))

</pallas_src>

<mosaic_0001>
#map = affine_map<(d0, d1) -> (0, 0)>
#map1 = affine_map<(d0, d1) -> (0, 0, 0)>
module attributes {stable_mosaic.version = 14 : i64} {
  func.func @sc_kernel(%arg0: i32, %arg1: i32, %arg2: memref<8192x4096xf32, #tpu.memory_space<hbm>>, %arg3: memref<32x64x4xi32, #tpu.memory_space<hbm>>, %arg4: memref<8192x4096xf32, #tpu.memory_space<hbm>>, %arg5: memref<64x4xi32, #tpu.memory_space<vmem>>, %arg6: memref<4x4096xf32, #tpu.memory_space<vmem>>, %arg7: memref<4x4096xf32, #tpu.memory_space<vmem>>, %arg8: memref<4x4096xf32, #tpu.memory_space<vmem>>, %arg9: memref<4x4096xf32, #tpu.memory_space<vmem>>, %arg10: memref<4x4096xf32, #tpu.memory_space<vmem>>, %arg11: memref<4x4096xf32, #tpu.memory_space<vmem>>, %arg12: memref<!tpu.dma_semaphore, #tpu.memory_space<semaphore_mem>>, %arg13: memref<!tpu.dma_semaphore, #tpu.memory_space<semaphore_mem>>, %arg14: memref<!tpu.dma_semaphore, #tpu.memory_space<semaphore_mem>>, %arg15: memref<!tpu.dma_semaphore, #tpu.memory_space<semaphore_mem>>, %arg16: memref<!tpu.dma_semaphore, #tpu.memory_space<semaphore_mem>>, %arg17: memref<!tpu.dma_semaphore, #tpu.memory_space<semaphore_mem>>) attributes {dimension_semantics = [#tpu.dimension_semantics<core_parallel>, #tpu.dimension_semantics<subcore_parallel>], iteration_bounds = array<i64: 2, 16>, scalar_prefetch = 0 : i64, scratch_operands = 13 : i64, tpu.core_type = #tpu.core_type<sc_vector_subcore>, window_params = [{transform_indices = #map}, {transform_indices = #map1}, {transform_indices = #map}]} {
    %mul3A = arith.constant 2 : i32
    %mul3A_0 = arith.muli %arg1, %mul3A : i32
    %add3A = arith.addi %mul3A_0, %arg0 : i32
    %mul3A_1 = arith.constant 256 : i32
    %mul3A_2 = arith.muli %add3A, %mul3A_1 : i32
    "tpu.region"() ({
      %run_scoped3A = tpu.sem_alloc : memref<!tpu.dma_semaphore, #tpu.memory_space<semaphore_mem>>
      %dma_start3A_44 = arith.constant 0 : i32
      %dma_start3A_45 = arith.constant 0 : i32
      %dma_start3A_46 = tpu.memref_slice %arg3[%add3A, %dma_start3A_44, %dma_start3A_45] : memref<32x64x4xi32, #tpu.memory_space<hbm>> -> memref<1x64x4xi32, #tpu.memory_space<hbm>>
      %dma_start3A_47 = tpu.memref_squeeze %dma_start3A_46 : memref<1x64x4xi32, #tpu.memory_space<hbm>> -> memref<64x4xi32, #tpu.memory_space<hbm>>
      %dma_start3A_48 = arith.constant 0 : i32
      %dma_start3A_49 = arith.constant 0 : i32
      %dma_start3A_50 = tpu.memref_slice %arg3[%add3A, %dma_start3A_48, %dma_start3A_49] : memref<32x64x4xi32, #tpu.memory_space<hbm>> -> memref<1x64x4xi32, #tpu.memory_space<hbm>>
      %dma_start3A_51 = tpu.memref_squeeze %dma_start3A_50 : memref<1x64x4xi32, #tpu.memory_space<hbm>> -> memref<64x4xi32, #tpu.memory_space<hbm>>
      tpu.enqueue_dma source(%dma_start3A_51 : memref<64x4xi32, #tpu.memory_space<hbm>>) target(%arg5 : memref<64x4xi32, #tpu.memory_space<vmem>>) target_semaphore(%run_scoped3A : memref<!tpu.dma_semaphore, #tpu.memory_space<semaphore_mem>>)
      %dma_wait3A_52 = arith.constant 0 : i32
      %dma_wait3A_53 = arith.constant 0 : i32
      %dma_wait3A_54 = tpu.memref_slice %arg3[%add3A, %dma_wait3A_52, %dma_wait3A_53] : memref<32x64x4xi32, #tpu.memory_space<hbm>> -> memref<1x64x4xi32, #tpu.memory_space<hbm>>
      %dma_wait3A_55 = tpu.memref_squeeze %dma_wait3A_54 : memref<1x64x4xi32, #tpu.memory_space<hbm>> -> memref<64x4xi32, #tpu.memory_space<hbm>>
      %dma_wait3A_56 = arith.constant 0 : i32
      %dma_wait3A_57 = arith.constant 0 : i32
      %dma_wait3A_58 = tpu.memref_slice %arg3[%add3A, %dma_wait3A_56, %dma_wait3A_57] : memref<32x64x4xi32, #tpu.memory_space<hbm>> -> memref<1x64x4xi32, #tpu.memory_space<hbm>>
      %dma_wait3A_59 = tpu.memref_squeeze %dma_wait3A_58 : memref<1x64x4xi32, #tpu.memory_space<hbm>> -> memref<64x4xi32, #tpu.memory_space<hbm>>
      tpu.wait_dma2 semaphore(%run_scoped3A : memref<!tpu.dma_semaphore, #tpu.memory_space<semaphore_mem>>) src(%dma_wait3A_59 : memref<64x4xi32, #tpu.memory_space<hbm>>) dst(%arg5 : memref<64x4xi32, #tpu.memory_space<vmem>>)
      tpu.yield
    }) : () -> ()
    %dma_start3A = arith.constant 0 : i32
    %dma_start3A_3 = arith.constant 0 : i32
    %dma_start3A_4 = tpu.memref_slice %arg5[%dma_start3A, %dma_start3A_3] : memref<64x4xi32, #tpu.memory_space<vmem>> -> memref<1x4xi32, #tpu.memory_space<vmem>>
    %dma_start3A_5 = tpu.memref_squeeze %dma_start3A_4 : memref<1x4xi32, #tpu.memory_space<vmem>> -> memref<4xi32, #tpu.memory_space<vmem>>
    %dma_start3A_6 = arith.constant 0 : i32
    %dma_start3A_7 = arith.constant 0 : i32
    %dma_start3A_8 = tpu.memref_slice %arg2[%dma_start3A_6, %dma_start3A_7] : memref<8192x4096xf32, #tpu.memory_space<hbm>> -> memref<8192x4096xf32, #tpu.memory_space<hbm>>
    tpu.enqueue_indirect_dma source(%dma_start3A_8 : memref<8192x4096xf32, #tpu.memory_space<hbm>>) target(%arg6 : memref<4x4096xf32, #tpu.memory_space<vmem>>) offsets(%dma_start3A_5 : memref<4xi32, #tpu.memory_space<vmem>>) semaphore(%arg12 : memref<!tpu.dma_semaphore, #tpu.memory_space<semaphore_mem>>)
    %add3A_9 = arith.constant 0 : i32
    %add3A_10 = arith.addi %mul3A_2, %add3A_9 : i32
    %dma_start3A_11 = arith.constant 0 : i32
    %dma_start3A_12 = tpu.memref_slice %arg2[%add3A_10, %dma_start3A_11] : memref<8192x4096xf32, #tpu.memory_space<hbm>> -> memref<4x4096xf32, #tpu.memory_space<hbm>>
    %dma_start3A_13 = arith.constant 0 : i32
    %dma_start3A_14 = tpu.memref_slice %arg2[%add3A_10, %dma_start3A_13] : memref<8192x4096xf32, #tpu.memory_space<hbm>> -> memref<4x4096xf32, #tpu.memory_space<hbm>>
    tpu.enqueue_dma source(%dma_start3A_14 : memref<4x4096xf32, #tpu.memory_space<hbm>>) target(%arg8 : memref<4x4096xf32, #tpu.memory_space<vmem>>) target_semaphore(%arg14 : memref<!tpu.dma_semaphore, #tpu.memory_space<semaphore_mem>>)
    %dma_start3A_15 = arith.constant 1 : i32
    %dma_start3A_16 = arith.constant 0 : i32
    %dma_start3A_17 = tpu.memref_slice %arg5[%dma_start3A_15, %dma_start3A_16] : memref<64x4xi32, #tpu.memory_space<vmem>> -> memref<1x4xi32, #tpu.memory_space<vmem>>
    %dma_start3A_18 = tpu.memref_squeeze %dma_start3A_17 : memref<1x4xi32, #tpu.memory_space<vmem>> -> memref<4xi32, #tpu.memory_space<vmem>>
    %dma_start3A_19 = arith.constant 0 : i32
    %dma_start3A_20 = arith.constant 0 : i32
    %dma_start3A_21 = tpu.memref_slice %arg2[%dma_start3A_19, %dma_start3A_20] : memref<8192x4096xf32, #tpu.memory_space<hbm>> -> memref<8192x4096xf32, #tpu.memory_space<hbm>>
    tpu.enqueue_indirect_dma source(%dma_start3A_21 : memref<8192x4096xf32, #tpu.memory_space<hbm>>) target(%arg7 : memref<4x4096xf32, #tpu.memory_space<vmem>>) offsets(%dma_start3A_18 : memref<4xi32, #tpu.memory_space<vmem>>) semaphore(%arg13 : memref<!tpu.dma_semaphore, #tpu.memory_space<semaphore_mem>>)
    %add3A_22 = arith.constant 4 : i32
    %add3A_23 = arith.addi %mul3A_2, %add3A_22 : i32
    %dma_start3A_24 = arith.constant 0 : i32
    %dma_start3A_25 = tpu.memref_slice %arg2[%add3A_23, %dma_start3A_24] : memref<8192x4096xf32, #tpu.memory_space<hbm>> -> memref<4x4096xf32, #tpu.memory_space<hbm>>
    %dma_start3A_26 = arith.constant 0 : i32
    %dma_start3A_27 = tpu.memref_slice %arg2[%add3A_23, %dma_start3A_26] : memref<8192x4096xf32, #tpu.memory_space<hbm>> -> memref<4x4096xf32, #tpu.memory_space<hbm>>
    tpu.enqueue_dma source(%dma_start3A_27 : memref<4x4096xf32, #tpu.memory_space<hbm>>) target(%arg9 : memref<4x4096xf32, #tpu.memory_space<vmem>>) target_semaphore(%arg15 : memref<!tpu.dma_semaphore, #tpu.memory_space<semaphore_mem>>)
    %scan3A = arith.constant 0 : i32
    %scan3A_28 = arith.constant 0 : i32
    %scan3A_29 = arith.constant 32 : i32
    %scan3A_30 = arith.addi %scan3A_28, %scan3A_29 : i32
    %scan3A_31 = arith.constant 1 : i32
    scf.for %scan3A_44 = %scan3A_28 to %scan3A_30 step %scan3A_31  : i32 {
      %mul3A_45 = arith.constant 2 : i32
      %mul3A_46 = arith.muli %scan3A_44, %mul3A_45 : i32
      %dma_wait3A_47 = arith.constant 0 : i32
      %dma_wait3A_48 = arith.constant 0 : i32
      %dma_wait3A_49 = tpu.memref_slice %arg2[%dma_wait3A_47, %dma_wait3A_48] : memref<8192x4096xf32, #tpu.memory_space<hbm>> -> memref<4x4096xf32, #tpu.memory_space<hbm>>
      %dma_wait3A_50 = arith.constant 0 : i32
      %dma_wait3A_51 = arith.constant 0 : i32
      %dma_wait3A_52 = tpu.memref_slice %arg2[%dma_wait3A_50, %dma_wait3A_51] : memref<8192x4096xf32, #tpu.memory_space<hbm>> -> memref<4x4096xf32, #tpu.memory_space<hbm>>
      tpu.wait_dma2 semaphore(%arg12 : memref<!tpu.dma_semaphore, #tpu.memory_space<semaphore_mem>>) src(%dma_wait3A_52 : memref<4x4096xf32, #tpu.memory_space<hbm>>) dst(%arg6 : memref<4x4096xf32, #tpu.memory_space<vmem>>)
      %dma_wait3A_53 = arith.constant 0 : i32
      %dma_wait3A_54 = arith.constant 0 : i32
      %dma_wait3A_55 = tpu.memref_slice %arg2[%dma_wait3A_53, %dma_wait3A_54] : memref<8192x4096xf32, #tpu.memory_space<hbm>> -> memref<4x4096xf32, #tpu.memory_space<hbm>>
      %dma_wait3A_56 = arith.constant 0 : i32
      %dma_wait3A_57 = arith.constant 0 : i32
      %dma_wait3A_58 = tpu.memref_slice %arg2[%dma_wait3A_56, %dma_wait3A_57] : memref<8192x4096xf32, #tpu.memory_space<hbm>> -> memref<4x4096xf32, #tpu.memory_space<hbm>>
      tpu.wait_dma2 semaphore(%arg14 : memref<!tpu.dma_semaphore, #tpu.memory_space<semaphore_mem>>) src(%dma_wait3A_58 : memref<4x4096xf32, #tpu.memory_space<hbm>>) dst(%arg8 : memref<4x4096xf32, #tpu.memory_space<vmem>>)
      %ge3A = arith.constant 2 : i32
      %ge3A_59 = arith.cmpi sge, %mul3A_46, %ge3A : i32
      %convert_element_type3A = arith.extui %ge3A_59 : i1 to i32
      %cond3A = arith.constant 0 : i32
      %cond3A_60 = arith.cmpi ne, %convert_element_type3A, %cond3A : i32
      scf.if %cond3A_60 {
        %sub3A = arith.constant 2 : i32
        %sub3A_119 = arith.subi %mul3A_46, %sub3A : i32
        %mul3A_120 = arith.constant 4 : i32
        %mul3A_121 = arith.muli %sub3A_119, %mul3A_120 : i32
        %add3A_122 = arith.addi %mul3A_2, %mul3A_121 : i32
        %dma_wait3A_123 = arith.constant 0 : i32
        %dma_wait3A_124 = tpu.memref_slice %arg4[%add3A_122, %dma_wait3A_123] : memref<8192x4096xf32, #tpu.memory_space<hbm>> -> memref<4x4096xf32, #tpu.memory_space<hbm>>
        %dma_wait3A_125 = arith.constant 0 : i32
        %dma_wait3A_126 = tpu.memref_slice %arg4[%add3A_122, %dma_wait3A_125] : memref<8192x4096xf32, #tpu.memory_space<hbm>> -> memref<4x4096xf32, #tpu.memory_space<hbm>>
        tpu.wait_dma2 semaphore(%arg16 : memref<!tpu.dma_semaphore, #tpu.memory_space<semaphore_mem>>) src(%arg10 : memref<4x4096xf32, #tpu.memory_space<vmem>>) dst(%dma_wait3A_126 : memref<4x4096xf32, #tpu.memory_space<hbm>>)
      } else {
      }
      %scan3A_61 = arith.constant 0 : i32
      %scan3A_62 = arith.constant 0 : i32
      %scan3A_63 = arith.constant 256 : i32
      %scan3A_64 = arith.addi %scan3A_62, %scan3A_63 : i32
      %scan3A_65 = arith.constant 1 : i32
      scf.for %scan3A_119 = %scan3A_62 to %scan3A_64 step %scan3A_65  : i32 {
        %mul3A_120 = arith.constant 16 : i32
        %mul3A_121 = arith.muli %scan3A_119, %mul3A_120 : i32
        %get3A = arith.constant 0 : i32
        %get3A_122 = arith.index_cast %get3A : i32 to index
        %get3A_123 = arith.index_cast %mul3A_121 : i32 to index
        %get3A_124 = tpu.vector_load %arg8[%get3A_122, %get3A_123] {strides = array<i32>} : memref<4x4096xf32, #tpu.memory_space<vmem>>, vector<1x16xf32>,
        %get3A_125 = vector.shape_cast %get3A_124 : vector<1x16xf32> to vector<16xf32>
        %get3A_126 = arith.constant 0 : i32
        %get3A_127 = arith.index_cast %get3A_126 : i32 to index
        %get3A_128 = arith.index_cast %mul3A_121 : i32 to index
        %get3A_129 = tpu.vector_load %arg6[%get3A_127, %get3A_128] {strides = array<i32>} : memref<4x4096xf32, #tpu.memory_space<vmem>>, vector<1x16xf32>,
        %get3A_130 = vector.shape_cast %get3A_129 : vector<1x16xf32> to vector<16xf32>
        %add3A_131 = arith.addf %get3A_125, %get3A_130 : vector<16xf32>
        %swap3A = arith.constant 0 : i32
        %swap3A_132 = arith.index_cast %swap3A : i32 to index
        %swap3A_133 = arith.index_cast %mul3A_121 : i32 to index
        %swap3A_134 = tpu.vector_load %arg10[%swap3A_132, %swap3A_133] {strides = array<i32>} : memref<4x4096xf32, #tpu.memory_space<vmem>>, vector<1x16xf32>,
        %swap3A_135 = vector.shape_cast %swap3A_134 : vector<1x16xf32> to vector<16xf32>
        %swap3A_136 = vector.shape_cast %add3A_131 : vector<16xf32> to vector<1x16xf32>
        tpu.vector_store %arg10[%swap3A_132, %swap3A_133], %swap3A_136 {strides = array<i32>} : memref<4x4096xf32, #tpu.memory_space<vmem>>, vector<1x16xf32>,
        %get3A_137 = arith.constant 1 : i32
        %get3A_138 = arith.index_cast %get3A_137 : i32 to index
        %get3A_139 = arith.index_cast %mul3A_121 : i32 to index
        %get3A_140 = tpu.vector_load %arg8[%get3A_138, %get3A_139] {strides = array<i32>} : memref<4x4096xf32, #tpu.memory_space<vmem>>, vector<1x16xf32>,
        %get3A_141 = vector.shape_cast %get3A_140 : vector<1x16xf32> to vector<16xf32>
        %get3A_142 = arith.constant 1 : i32
        %get3A_143 = arith.index_cast %get3A_142 : i32 to index
        %get3A_144 = arith.index_cast %mul3A_121 : i32 to index
        %get3A_145 = tpu.vector_load %arg6[%get3A_143, %get3A_144] {strides = array<i32>} : memref<4x4096xf32, #tpu.memory_space<vmem>>, vector<1x16xf32>,
        %get3A_146 = vector.shape_cast %get3A_145 : vector<1x16xf32> to vector<16xf32>
        %add3A_147 = arith.addf %get3A_141, %get3A_146 : vector<16xf32>
        %swap3A_148 = arith.constant 1 : i32
        %swap3A_149 = arith.index_cast %swap3A_148 : i32 to index
        %swap3A_150 = arith.index_cast %mul3A_121 : i32 to index
        %swap3A_151 = tpu.vector_load %arg10[%swap3A_149, %swap3A_150] {strides = array<i32>} : memref<4x4096xf32, #tpu.memory_space<vmem>>, vector<1x16xf32>,
        %swap3A_152 = vector.shape_cast %swap3A_151 : vector<1x16xf32> to vector<16xf32>
        %swap3A_153 = vector.shape_cast %add3A_147 : vector<16xf32> to vector<1x16xf32>
        tpu.vector_store %arg10[%swap3A_149, %swap3A_150], %swap3A_153 {strides = array<i32>} : memref<4x4096xf32, #tpu.memory_space<vmem>>, vector<1x16xf32>,
        %get3A_154 = arith.constant 2 : i32
        %get3A_155 = arith.index_cast %get3A_154 : i32 to index
        %get3A_156 = arith.index_cast %mul3A_121 : i32 to index
        %get3A_157 = tpu.vector_load %arg8[%get3A_155, %get3A_156] {strides = array<i32>} : memref<4x4096xf32, #tpu.memory_space<vmem>>, vector<1x16xf32>,
        %get3A_158 = vector.shape_cast %get3A_157 : vector<1x16xf32> to vector<16xf32>
        %get3A_159 = arith.constant 2 : i32
        %get3A_160 = arith.index_cast %get3A_159 : i32 to index
        %get3A_161 = arith.index_cast %mul3A_121 : i32 to index
        %get3A_162 = tpu.vector_load %arg6[%get3A_160, %get3A_161] {strides = array<i32>} : memref<4x4096xf32, #tpu.memory_space<vmem>>, vector<1x16xf32>,
        %get3A_163 = vector.shape_cast %get3A_162 : vector<1x16xf32> to vector<16xf32>
        %add3A_164 = arith.addf %get3A_158, %get3A_163 : vector<16xf32>
        %swap3A_165 = arith.constant 2 : i32
        %swap3A_166 = arith.index_cast %swap3A_165 : i32 to index
        %swap3A_167 = arith.index_cast %mul3A_121 : i32 to index
        %swap3A_168 = tpu.vector_load %arg10[%swap3A_166, %swap3A_167] {strides = array<i32>} : memref<4x4096xf32, #tpu.memory_space<vmem>>, vector<1x16xf32>,
        %swap3A_169 = vector.shape_cast %swap3A_168 : vector<1x16xf32> to vector<16xf32>
        %swap3A_170 = vector.shape_cast %add3A_164 : vector<16xf32> to vector<1x16xf32>
        tpu.vector_store %arg10[%swap3A_166, %swap3A_167], %swap3A_170 {strides = array<i32>} : memref<4x4096xf32, #tpu.memory_space<vmem>>, vector<1x16xf32>,
        %get3A_171 = arith.constant 3 : i32
        %get3A_172 = arith.index_cast %get3A_171 : i32 to index
        %get3A_173 = arith.index_cast %mul3A_121 : i32 to index
        %get3A_174 = tpu.vector_load %arg8[%get3A_172, %get3A_173] {strides = array<i32>} : memref<4x4096xf32, #tpu.memory_space<vmem>>, vector<1x16xf32>,
        %get3A_175 = vector.shape_cast %get3A_174 : vector<1x16xf32> to vector<16xf32>
        %get3A_176 = arith.constant 3 : i32
        %get3A_177 = arith.index_cast %get3A_176 : i32 to index
        %get3A_178 = arith.index_cast %mul3A_121 : i32 to index
        %get3A_179 = tpu.vector_load %arg6[%get3A_177, %get3A_178] {strides = array<i32>} : memref<4x4096xf32, #tpu.memory_space<vmem>>, vector<1x16xf32>,
        %get3A_180 = vector.shape_cast %get3A_179 : vector<1x16xf32> to vector<16xf32>
        %add3A_181 = arith.addf %get3A_175, %get3A_180 : vector<16xf32>
        %swap3A_182 = arith.constant 3 : i32
        %swap3A_183 = arith.index_cast %swap3A_182 : i32 to index
        %swap3A_184 = arith.index_cast %mul3A_121 : i32 to index
        %swap3A_185 = tpu.vector_load %arg10[%swap3A_183, %swap3A_184] {strides = array<i32>} : memref<4x4096xf32, #tpu.memory_space<vmem>>, vector<1x16xf32>,
        %swap3A_186 = vector.shape_cast %swap3A_185 : vector<1x16xf32> to vector<16xf32>
        %swap3A_187 = vector.shape_cast %add3A_181 : vector<16xf32> to vector<1x16xf32>
        tpu.vector_store %arg10[%swap3A_183, %swap3A_184], %swap3A_187 {strides = array<i32>} : memref<4x4096xf32, #tpu.memory_space<vmem>>, vector<1x16xf32>,
      }
      %scan3A_66 = arith.constant 256 : i32
      %mul3A_67 = arith.constant 4 : i32
      %mul3A_68 = arith.muli %mul3A_46, %mul3A_67 : i32
      %add3A_69 = arith.addi %mul3A_2, %mul3A_68 : i32
      %dma_start3A_70 = arith.constant 0 : i32
      %dma_start3A_71 = tpu.memref_slice %arg4[%add3A_69, %dma_start3A_70] : memref<8192x4096xf32, #tpu.memory_space<hbm>> -> memref<4x4096xf32, #tpu.memory_space<hbm>>
      %dma_start3A_72 = arith.constant 0 : i32
      %dma_start3A_73 = tpu.memref_slice %arg4[%add3A_69, %dma_start3A_72] : memref<8192x4096xf32, #tpu.memory_space<hbm>> -> memref<4x4096xf32, #tpu.memory_space<hbm>>
      tpu.enqueue_dma source(%arg10 : memref<4x4096xf32, #tpu.memory_space<vmem>>) target(%dma_start3A_73 : memref<4x4096xf32, #tpu.memory_space<hbm>>) target_semaphore(%arg16 : memref<!tpu.dma_semaphore, #tpu.memory_space<semaphore_mem>>)
      %add3A_74 = arith.constant 2 : i32
      %add3A_75 = arith.addi %mul3A_46, %add3A_74 : i32
      %lt3A = arith.constant 64 : i32
      %lt3A_76 = arith.cmpi slt, %add3A_75, %lt3A : i32
      %convert_element_type3A_77 = arith.extui %lt3A_76 : i1 to i32
      %cond3A_78 = arith.constant 0 : i32
      %cond3A_79 = arith.cmpi ne, %convert_element_type3A_77, %cond3A_78 : i32
      scf.if %cond3A_79 {
        %add3A_119 = arith.constant 2 : i32
        %add3A_120 = arith.addi %mul3A_46, %add3A_119 : i32
        %dma_start3A_121 = arith.constant 0 : i32
        %dma_start3A_122 = tpu.memref_slice %arg5[%add3A_120, %dma_start3A_121] : memref<64x4xi32, #tpu.memory_space<vmem>> -> memref<1x4xi32, #tpu.memory_space<vmem>>
        %dma_start3A_123 = tpu.memref_squeeze %dma_start3A_122 : memref<1x4xi32, #tpu.memory_space<vmem>> -> memref<4xi32, #tpu.memory_space<vmem>>
        %dma_start3A_124 = arith.constant 0 : i32
        %dma_start3A_125 = arith.constant 0 : i32
        %dma_start3A_126 = tpu.memref_slice %arg2[%dma_start3A_124, %dma_start3A_125] : memref<8192x4096xf32, #tpu.memory_space<hbm>> -> memref<8192x4096xf32, #tpu.memory_space<hbm>>
        tpu.enqueue_indirect_dma source(%dma_start3A_126 : memref<8192x4096xf32, #tpu.memory_space<hbm>>) target(%arg6 : memref<4x4096xf32, #tpu.memory_space<vmem>>) offsets(%dma_start3A_123 : memref<4xi32, #tpu.memory_space<vmem>>) semaphore(%arg12 : memref<!tpu.dma_semaphore, #tpu.memory_space<semaphore_mem>>)
        %mul3A_127 = arith.constant 4 : i32
        %mul3A_128 = arith.muli %add3A_120, %mul3A_127 : i32
        %add3A_129 = arith.addi %mul3A_2, %mul3A_128 : i32
        %dma_start3A_130 = arith.constant 0 : i32
        %dma_start3A_131 = tpu.memref_slice %arg2[%add3A_129, %dma_start3A_130] : memref<8192x4096xf32, #tpu.memory_space<hbm>> -> memref<4x4096xf32, #tpu.memory_space<hbm>>
        %dma_start3A_132 = arith.constant 0 : i32
        %dma_start3A_133 = tpu.memref_slice %arg2[%add3A_129, %dma_start3A_132] : memref<8192x4096xf32, #tpu.memory_space<hbm>> -> memref<4x4096xf32, #tpu.memory_space<hbm>>
        tpu.enqueue_dma source(%dma_start3A_133 : memref<4x4096xf32, #tpu.memory_space<hbm>>) target(%arg8 : memref<4x4096xf32, #tpu.memory_space<vmem>>) target_semaphore(%arg14 : memref<!tpu.dma_semaphore, #tpu.memory_space<semaphore_mem>>)
      } else {
      }
      %add3A_80 = arith.constant 1 : i32
      %add3A_81 = arith.addi %mul3A_46, %add3A_80 : i32
      %dma_wait3A_82 = arith.constant 0 : i32
      %dma_wait3A_83 = arith.constant 0 : i32
      %dma_wait3A_84 = tpu.memref_slice %arg2[%dma_wait3A_82, %dma_wait3A_83] : memref<8192x4096xf32, #tpu.memory_space<hbm>> -> memref<4x4096xf32, #tpu.memory_space<hbm>>
      %dma_wait3A_85 = arith.constant 0 : i32
      %dma_wait3A_86 = arith.constant 0 : i32
      %dma_wait3A_87 = tpu.memref_slice %arg2[%dma_wait3A_85, %dma_wait3A_86] : memref<8192x4096xf32, #tpu.memory_space<hbm>> -> memref<4x4096xf32, #tpu.memory_space<hbm>>
      tpu.wait_dma2 semaphore(%arg13 : memref<!tpu.dma_semaphore, #tpu.memory_space<semaphore_mem>>) src(%dma_wait3A_87 : memref<4x4096xf32, #tpu.memory_space<hbm>>) dst(%arg7 : memref<4x4096xf32, #tpu.memory_space<vmem>>)
      %dma_wait3A_88 = arith.constant 0 : i32
      %dma_wait3A_89 = arith.constant 0 : i32
      %dma_wait3A_90 = tpu.memref_slice %arg2[%dma_wait3A_88, %dma_wait3A_89] : memref<8192x4096xf32, #tpu.memory_space<hbm>> -> memref<4x4096xf32, #tpu.memory_space<hbm>>
      %dma_wait3A_91 = arith.constant 0 : i32
      %dma_wait3A_92 = arith.constant 0 : i32
      %dma_wait3A_93 = tpu.memref_slice %arg2[%dma_wait3A_91, %dma_wait3A_92] : memref<8192x4096xf32, #tpu.memory_space<hbm>> -> memref<4x4096xf32, #tpu.memory_space<hbm>>
      tpu.wait_dma2 semaphore(%arg15 : memref<!tpu.dma_semaphore, #tpu.memory_space<semaphore_mem>>) src(%dma_wait3A_93 : memref<4x4096xf32, #tpu.memory_space<hbm>>) dst(%arg9 : memref<4x4096xf32, #tpu.memory_space<vmem>>)
      %ge3A_94 = arith.constant 2 : i32
      %ge3A_95 = arith.cmpi sge, %add3A_81, %ge3A_94 : i32
      %convert_element_type3A_96 = arith.extui %ge3A_95 : i1 to i32
      %cond3A_97 = arith.constant 0 : i32
      %cond3A_98 = arith.cmpi ne, %convert_element_type3A_96, %cond3A_97 : i32
      scf.if %cond3A_98 {
        %sub3A = arith.constant 2 : i32
        %sub3A_119 = arith.subi %add3A_81, %sub3A : i32
        %mul3A_120 = arith.constant 4 : i32
        %mul3A_121 = arith.muli %sub3A_119, %mul3A_120 : i32
        %add3A_122 = arith.addi %mul3A_2, %mul3A_121 : i32
        %dma_wait3A_123 = arith.constant 0 : i32
        %dma_wait3A_124 = tpu.memref_slice %arg4[%add3A_122, %dma_wait3A_123] : memref<8192x4096xf32, #tpu.memory_space<hbm>> -> memref<4x4096xf32, #tpu.memory_space<hbm>>
        %dma_wait3A_125 = arith.constant 0 : i32
        %dma_wait3A_126 = tpu.memref_slice %arg4[%add3A_122, %dma_wait3A_125] : memref<8192x4096xf32, #tpu.memory_space<hbm>> -> memref<4x4096xf32, #tpu.memory_space<hbm>>
        tpu.wait_dma2 semaphore(%arg17 : memref<!tpu.dma_semaphore, #tpu.memory_space<semaphore_mem>>) src(%arg11 : memref<4x4096xf32, #tpu.memory_space<vmem>>) dst(%dma_wait3A_126 : memref<4x4096xf32, #tpu.memory_space<hbm>>)
      } else {
      }
      %scan3A_99 = arith.constant 0 : i32
      %scan3A_100 = arith.constant 0 : i32
      %scan3A_101 = arith.constant 256 : i32
      %scan3A_102 = arith.addi %scan3A_100, %scan3A_101 : i32
      %scan3A_103 = arith.constant 1 : i32
      scf.for %scan3A_119 = %scan3A_100 to %scan3A_102 step %scan3A_103  : i32 {
        %mul3A_120 = arith.constant 16 : i32
        %mul3A_121 = arith.muli %scan3A_119, %mul3A_120 : i32
        %get3A = arith.constant 0 : i32
        %get3A_122 = arith.index_cast %get3A : i32 to index
        %get3A_123 = arith.index_cast %mul3A_121 : i32 to index
        %get3A_124 = tpu.vector_load %arg9[%get3A_122, %get3A_123] {strides = array<i32>} : memref<4x4096xf32, #tpu.memory_space<vmem>>, vector<1x16xf32>,
        %get3A_125 = vector.shape_cast %get3A_124 : vector<1x16xf32> to vector<16xf32>
        %get3A_126 = arith.constant 0 : i32
        %get3A_127 = arith.index_cast %get3A_126 : i32 to index
        %get3A_128 = arith.index_cast %mul3A_121 : i32 to index
        %get3A_129 = tpu.vector_load %arg7[%get3A_127, %get3A_128] {strides = array<i32>} : memref<4x4096xf32, #tpu.memory_space<vmem>>, vector<1x16xf32>,
        %get3A_130 = vector.shape_cast %get3A_129 : vector<1x16xf32> to vector<16xf32>
        %add3A_131 = arith.addf %get3A_125, %get3A_130 : vector<16xf32>
        %swap3A = arith.constant 0 : i32
        %swap3A_132 = arith.index_cast %swap3A : i32 to index
        %swap3A_133 = arith.index_cast %mul3A_121 : i32 to index
        %swap3A_134 = tpu.vector_load %arg11[%swap3A_132, %swap3A_133] {strides = array<i32>} : memref<4x4096xf32, #tpu.memory_space<vmem>>, vector<1x16xf32>,
        %swap3A_135 = vector.shape_cast %swap3A_134 : vector<1x16xf32> to vector<16xf32>
        %swap3A_136 = vector.shape_cast %add3A_131 : vector<16xf32> to vector<1x16xf32>
        tpu.vector_store %arg11[%swap3A_132, %swap3A_133], %swap3A_136 {strides = array<i32>} : memref<4x4096xf32, #tpu.memory_space<vmem>>, vector<1x16xf32>,
        %get3A_137 = arith.constant 1 : i32
        %get3A_138 = arith.index_cast %get3A_137 : i32 to index
        %get3A_139 = arith.index_cast %mul3A_121 : i32 to index
        %get3A_140 = tpu.vector_load %arg9[%get3A_138, %get3A_139] {strides = array<i32>} : memref<4x4096xf32, #tpu.memory_space<vmem>>, vector<1x16xf32>,
        %get3A_141 = vector.shape_cast %get3A_140 : vector<1x16xf32> to vector<16xf32>
        %get3A_142 = arith.constant 1 : i32
        %get3A_143 = arith.index_cast %get3A_142 : i32 to index
        %get3A_144 = arith.index_cast %mul3A_121 : i32 to index
        %get3A_145 = tpu.vector_load %arg7[%get3A_143, %get3A_144] {strides = array<i32>} : memref<4x4096xf32, #tpu.memory_space<vmem>>, vector<1x16xf32>,
        %get3A_146 = vector.shape_cast %get3A_145 : vector<1x16xf32> to vector<16xf32>
        %add3A_147 = arith.addf %get3A_141, %get3A_146 : vector<16xf32>
        %swap3A_148 = arith.constant 1 : i32
        %swap3A_149 = arith.index_cast %swap3A_148 : i32 to index
        %swap3A_150 = arith.index_cast %mul3A_121 : i32 to index
        %swap3A_151 = tpu.vector_load %arg11[%swap3A_149, %swap3A_150] {strides = array<i32>} : memref<4x4096xf32, #tpu.memory_space<vmem>>, vector<1x16xf32>,
        %swap3A_152 = vector.shape_cast %swap3A_151 : vector<1x16xf32> to vector<16xf32>
        %swap3A_153 = vector.shape_cast %add3A_147 : vector<16xf32> to vector<1x16xf32>
        tpu.vector_store %arg11[%swap3A_149, %swap3A_150], %swap3A_153 {strides = array<i32>} : memref<4x4096xf32, #tpu.memory_space<vmem>>, vector<1x16xf32>,
        %get3A_154 = arith.constant 2 : i32
        %get3A_155 = arith.index_cast %get3A_154 : i32 to index
        %get3A_156 = arith.index_cast %mul3A_121 : i32 to index
        %get3A_157 = tpu.vector_load %arg9[%get3A_155, %get3A_156] {strides = array<i32>} : memref<4x4096xf32, #tpu.memory_space<vmem>>, vector<1x16xf32>,
        %get3A_158 = vector.shape_cast %get3A_157 : vector<1x16xf32> to vector<16xf32>
        %get3A_159 = arith.constant 2 : i32
        %get3A_160 = arith.index_cast %get3A_159 : i32 to index
        %get3A_161 = arith.index_cast %mul3A_121 : i32 to index
        %get3A_162 = tpu.vector_load %arg7[%get3A_160, %get3A_161] {strides = array<i32>} : memref<4x4096xf32, #tpu.memory_space<vmem>>, vector<1x16xf32>,
        %get3A_163 = vector.shape_cast %get3A_162 : vector<1x16xf32> to vector<16xf32>
        %add3A_164 = arith.addf %get3A_158, %get3A_163 : vector<16xf32>
        %swap3A_165 = arith.constant 2 : i32
        %swap3A_166 = arith.index_cast %swap3A_165 : i32 to index
        %swap3A_167 = arith.index_cast %mul3A_121 : i32 to index
        %swap3A_168 = tpu.vector_load %arg11[%swap3A_166, %swap3A_167] {strides = array<i32>} : memref<4x4096xf32, #tpu.memory_space<vmem>>, vector<1x16xf32>,
        %swap3A_169 = vector.shape_cast %swap3A_168 : vector<1x16xf32> to vector<16xf32>
        %swap3A_170 = vector.shape_cast %add3A_164 : vector<16xf32> to vector<1x16xf32>
        tpu.vector_store %arg11[%swap3A_166, %swap3A_167], %swap3A_170 {strides = array<i32>} : memref<4x4096xf32, #tpu.memory_space<vmem>>, vector<1x16xf32>,
        %get3A_171 = arith.constant 3 : i32
        %get3A_172 = arith.index_cast %get3A_171 : i32 to index
        %get3A_173 = arith.index_cast %mul3A_121 : i32 to index
        %get3A_174 = tpu.vector_load %arg9[%get3A_172, %get3A_173] {strides = array<i32>} : memref<4x4096xf32, #tpu.memory_space<vmem>>, vector<1x16xf32>,
        %get3A_175 = vector.shape_cast %get3A_174 : vector<1x16xf32> to vector<16xf32>
        %get3A_176 = arith.constant 3 : i32
        %get3A_177 = arith.index_cast %get3A_176 : i32 to index
        %get3A_178 = arith.index_cast %mul3A_121 : i32 to index
        %get3A_179 = tpu.vector_load %arg7[%get3A_177, %get3A_178] {strides = array<i32>} : memref<4x4096xf32, #tpu.memory_space<vmem>>, vector<1x16xf32>,
        %get3A_180 = vector.shape_cast %get3A_179 : vector<1x16xf32> to vector<16xf32>
        %add3A_181 = arith.addf %get3A_175, %get3A_180 : vector<16xf32>
        %swap3A_182 = arith.constant 3 : i32
        %swap3A_183 = arith.index_cast %swap3A_182 : i32 to index
        %swap3A_184 = arith.index_cast %mul3A_121 : i32 to index
        %swap3A_185 = tpu.vector_load %arg11[%swap3A_183, %swap3A_184] {strides = array<i32>} : memref<4x4096xf32, #tpu.memory_space<vmem>>, vector<1x16xf32>,
        %swap3A_186 = vector.shape_cast %swap3A_185 : vector<1x16xf32> to vector<16xf32>
        %swap3A_187 = vector.shape_cast %add3A_181 : vector<16xf32> to vector<1x16xf32>
        tpu.vector_store %arg11[%swap3A_183, %swap3A_184], %swap3A_187 {strides = array<i32>} : memref<4x4096xf32, #tpu.memory_space<vmem>>, vector<1x16xf32>,
      }
      %scan3A_104 = arith.constant 256 : i32
      %mul3A_105 = arith.constant 4 : i32
      %mul3A_106 = arith.muli %add3A_81, %mul3A_105 : i32
      %add3A_107 = arith.addi %mul3A_2, %mul3A_106 : i32
      %dma_start3A_108 = arith.constant 0 : i32
      %dma_start3A_109 = tpu.memref_slice %arg4[%add3A_107, %dma_start3A_108] : memref<8192x4096xf32, #tpu.memory_space<hbm>> -> memref<4x4096xf32, #tpu.memory_space<hbm>>
      %dma_start3A_110 = arith.constant 0 : i32
      %dma_start3A_111 = tpu.memref_slice %arg4[%add3A_107, %dma_start3A_110] : memref<8192x4096xf32, #tpu.memory_space<hbm>> -> memref<4x4096xf32, #tpu.memory_space<hbm>>
      tpu.enqueue_dma source(%arg11 : memref<4x4096xf32, #tpu.memory_space<vmem>>) target(%dma_start3A_111 : memref<4x4096xf32, #tpu.memory_space<hbm>>) target_semaphore(%arg17 : memref<!tpu.dma_semaphore, #tpu.memory_space<semaphore_mem>>)
      %add3A_112 = arith.constant 2 : i32
      %add3A_113 = arith.addi %add3A_81, %add3A_112 : i32
      %lt3A_114 = arith.constant 64 : i32
      %lt3A_115 = arith.cmpi slt, %add3A_113, %lt3A_114 : i32
      %convert_element_type3A_116 = arith.extui %lt3A_115 : i1 to i32
      %cond3A_117 = arith.constant 0 : i32
      %cond3A_118 = arith.cmpi ne, %convert_element_type3A_116, %cond3A_117 : i32
      scf.if %cond3A_118 {
        %add3A_119 = arith.constant 2 : i32
        %add3A_120 = arith.addi %add3A_81, %add3A_119 : i32
        %dma_start3A_121 = arith.constant 0 : i32
        %dma_start3A_122 = tpu.memref_slice %arg5[%add3A_120, %dma_start3A_121] : memref<64x4xi32, #tpu.memory_space<vmem>> -> memref<1x4xi32, #tpu.memory_space<vmem>>
        %dma_start3A_123 = tpu.memref_squeeze %dma_start3A_122 : memref<1x4xi32, #tpu.memory_space<vmem>> -> memref<4xi32, #tpu.memory_space<vmem>>
        %dma_start3A_124 = arith.constant 0 : i32
        %dma_start3A_125 = arith.constant 0 : i32
        %dma_start3A_126 = tpu.memref_slice %arg2[%dma_start3A_124, %dma_start3A_125] : memref<8192x4096xf32, #tpu.memory_space<hbm>> -> memref<8192x4096xf32, #tpu.memory_space<hbm>>
        tpu.enqueue_indirect_dma source(%dma_start3A_126 : memref<8192x4096xf32, #tpu.memory_space<hbm>>) target(%arg7 : memref<4x4096xf32, #tpu.memory_space<vmem>>) offsets(%dma_start3A_123 : memref<4xi32, #tpu.memory_space<vmem>>) semaphore(%arg13 : memref<!tpu.dma_semaphore, #tpu.memory_space<semaphore_mem>>)
        %mul3A_127 = arith.constant 4 : i32
        %mul3A_128 = arith.muli %add3A_120, %mul3A_127 : i32
        %add3A_129 = arith.addi %mul3A_2, %mul3A_128 : i32
        %dma_start3A_130 = arith.constant 0 : i32
        %dma_start3A_131 = tpu.memref_slice %arg2[%add3A_129, %dma_start3A_130] : memref<8192x4096xf32, #tpu.memory_space<hbm>> -> memref<4x4096xf32, #tpu.memory_space<hbm>>
        %dma_start3A_132 = arith.constant 0 : i32
        %dma_start3A_133 = tpu.memref_slice %arg2[%add3A_129, %dma_start3A_132] : memref<8192x4096xf32, #tpu.memory_space<hbm>> -> memref<4x4096xf32, #tpu.memory_space<hbm>>
        tpu.enqueue_dma source(%dma_start3A_133 : memref<4x4096xf32, #tpu.memory_space<hbm>>) target(%arg9 : memref<4x4096xf32, #tpu.memory_space<vmem>>) target_semaphore(%arg15 : memref<!tpu.dma_semaphore, #tpu.memory_space<semaphore_mem>>)
      } else {
      }
    }
    %scan3A_32 = arith.constant 32 : i32
    %add3A_33 = arith.constant 248 : i32
    %add3A_34 = arith.addi %mul3A_2, %add3A_33 : i32
    %dma_wait3A = arith.constant 0 : i32
    %dma_wait3A_35 = tpu.memref_slice %arg4[%add3A_34, %dma_wait3A] : memref<8192x4096xf32, #tpu.memory_space<hbm>> -> memref<4x4096xf32, #tpu.memory_space<hbm>>
    %dma_wait3A_36 = arith.constant 0 : i32
    %dma_wait3A_37 = tpu.memref_slice %arg4[%add3A_34, %dma_wait3A_36] : memref<8192x4096xf32, #tpu.memory_space<hbm>> -> memref<4x4096xf32, #tpu.memory_space<hbm>>
    tpu.wait_dma2 semaphore(%arg16 : memref<!tpu.dma_semaphore, #tpu.memory_space<semaphore_mem>>) src(%arg10 : memref<4x4096xf32, #tpu.memory_space<vmem>>) dst(%dma_wait3A_37 : memref<4x4096xf32, #tpu.memory_space<hbm>>)
    %add3A_38 = arith.constant 252 : i32
    %add3A_39 = arith.addi %mul3A_2, %add3A_38 : i32
    %dma_wait3A_40 = arith.constant 0 : i32
    %dma_wait3A_41 = tpu.memref_slice %arg4[%add3A_39, %dma_wait3A_40] : memref<8192x4096xf32, #tpu.memory_space<hbm>> -> memref<4x4096xf32, #tpu.memory_space<hbm>>
    %dma_wait3A_42 = arith.constant 0 : i32
    %dma_wait3A_43 = tpu.memref_slice %arg4[%add3A_39, %dma_wait3A_42] : memref<8192x4096xf32, #tpu.memory_space<hbm>> -> memref<4x4096xf32, #tpu.memory_space<hbm>>
    tpu.wait_dma2 semaphore(%arg17 : memref<!tpu.dma_semaphore, #tpu.memory_space<semaphore_mem>>) src(%arg11 : memref<4x4096xf32, #tpu.memory_space<vmem>>) dst(%dma_wait3A_43 : memref<4x4096xf32, #tpu.memory_space<hbm>>)
    return
  }
}

</mosaic_0001>

<sc_bundles>
// kernel: kernel.3.cloned.1.call-start
scs
__scs_entry_jumppad:
0x0: {  	(pc) =	sbr.rel $0x88, $3  }
0x1: {  	(tag) =	ssettag $0x0;
	lr =	simm.s32 $0x1  }
0x2: {  	[smem:$0x3F9C] =	sst lr;
	_ =	strace $0xD0000000  }
0x3: {  	_ = 	snop  }
0x4: {  	_ = 	snop  }
0x5: {  	_ = 	snop  }
0x6: {  	_ = 	snop  }
0x7: {  	_ = 	snop  }
__scs_overlays_trampoline_lowered:
0x8: {  	[smem:$0x3FAB] =	sst s0  }
0x9: {  	[smem:$0x3FAC] =	sst s1  }
0xa: {  	[smem:$0x3FAD] =	sst s2  }
0xb: {  	[smem:$0x3FAE] =	sst s3  }
0xc: {  	[smem:$0x3FAF] =	sst s4  }
0xd: {  	[smem:$0x3FB0] =	sst s5  }
0xe: {  	[smem:$0x3FB1] =	sst s6  }
0xf: {  	[smem:$0x3FB2] =	sst s7  }
0x10: {  	[smem:$0x3FB3] =	sst s8  }
0x11: {  	[smem:$0x3FB4] =	sst s9;
	s0 =	simm.s32 @!p0 $0x0  }
0x12: {  	s1 =	sld [smem:$0x3F9A];
	s0 =	simm.s32 @p0 $0x1  }
0x13: {  	[smem:$0x3FB5] =	sst s0;
	s0 =	simm.s32 @!p1 $0x0  }
0x14: {  	s2 =	sld [smem:$0x3F99];
	s0 =	simm.s32 @p1 $0x1  }
0x15: {  	[smem:$0x3FB6] =	sst s0;
	s0 =	simm.s32 @!p2 $0x0  }
0x16: {  	s3 =	sld [smem:$0x3FDB];
	s0 =	simm.s32 @p2 $0x1  }
0x17: {  	s4 =	simm.s32 $0x1BF5;
	[smem:$0x3FB8] =	sst s0  }
0x18: {  	s0 =	sld [smem:$0x3F9B];
	_ =	swait.ge [sflag:s4], $0x0  }
0x19: {  	s7 =	sld [smem:$0x3F9C]  }
0x1a: {  	s8 =	sadd.s32 $0xFFFFE003, lr  }
0x1b: {  	s9 =	sadd.s32 $0xFFFFFEF7, lr;
	s5 =	simm.s32 $0xFFFFFFFF;
	p2 =	slt.u32 s8, $0xFFFFF086  }
0x1c: {  	p1 =	slt.u32 s9, $0xF7A;
	s5 =	simm.s32 @!p2 $0x0  }
0x1d: {  	s5 =	simm.s32 @p1 $0x1;
	p0 =	seq.s32 s7, s2  }
0x1e: {  	s7 =	smul.u32 @!p0 $0xF7A, s2;
	p2 =	seq.s32 @!p0 s5, $0x0  }
0x1f: {  	s9 =	smul.u32 $0xF7A, s1;
	s8 =	simm.s32 @!p0 $0x1BF5;
	p2 =	por !p2, p0  }
0x20: {  	[sflag:s8] =	ssyncset.s32 @!p0 $0xFFFFF086;
	s6 =	sadd.s32 @!p0 s3, s7;
	s7 =	simm.s32 @!p0 $0x108  }
0x21: {  	s3 =	sadd.s32 s3, s9;
	s6 =	sadd.s32 @!p0 $0x88, s6;
	s7 =	simm.s32 @p2 $0x1082  }
0x22: {  	[simem:s7], [sflag:s8] =	dma.local @!p0 [hbm:s6], $0xF7A  }
0x23: {  	s9 =	sor.u32 $0xD0000000, s2;
	s6 =	simm.s32 $0x108;
	_ =	swait.ge @!p0 [sflag:s8], $0x0  }
0x24: {  	s3 =	sadd.s32 $0x88, s3;
	s6 =	simm.s32 @!p1 $0x1082;
	[sflag:s4] =	ssyncset.s32 $0xFFFFF086  }
0x25: {  	[simem:s6], [sflag:s4] =	dma.local [hbm:s3], $0xF7A  }
0x26: {  	[smem:$0x3F9C] =	sst s1;
	(tag) =	ssettag s2;
	_ =	strace s9  }
0x27: {  	s1 =	sld [smem:$0x3FAC]  }
0x28: {  	s2 =	sld [smem:$0x3FAD]  }
0x29: {  	s4 =	sld [smem:$0x3FAF]  }
0x2a: {  	p0 =	seq.s32 s5, $0x0;
	s5 =	sld [smem:$0x3FB0]  }
0x2b: {  	s6 =	sld [smem:$0x3FB1]  }
0x2c: {  	s7 =	sld [smem:$0x3FB2]  }
0x2d: {  	s3 =	simm.s32 $0x108;
	s8 =	sld [smem:$0x3FB3]  }
0x2e: {  	s3 =	simm.s32 @!p0 $0x1082;
	s9 =	sld [smem:$0x3FB4]  }
0x2f: {  	lr =	sadd.s32 s0, s3;
	s0 =	sld [smem:$0x3FAB]  }
0x30: {  	s3 =	sld [smem:$0x3FAE]  }
0x31: {  	[smem:$0x3FB7] =	sst s10  }
0x32: {  	s10 =	sld [smem:$0x3FB5];
	_ =	sdelay $0x3  }
0x33: {  	p0 =	seq.s32 s10, $0x1;
	s10 =	sld [smem:$0x3FB7];
	_ =	sdelay $0x3  }
0x34: {  	[smem:$0x3FB7] =	sst s10  }
0x35: {  	s10 =	sld [smem:$0x3FB6];
	_ =	sdelay $0x3  }
0x36: {  	p1 =	seq.s32 s10, $0x1;
	s10 =	sld [smem:$0x3FB7];
	_ =	sdelay $0x3  }
0x37: {  	[smem:$0x3FB7] =	sst s10  }
0x38: {  	s10 =	sld [smem:$0x3FB8]  }
0x39: {  	_ = 	snop;
	(pc) =	sbr.ind lr, $3  }
0x3a: {  	_ = 	snop  }
0x3b: {  	_ = 	snop  }
0x3c: {  	p2 =	seq.s32 s10, $0x1;
	s10 =	sld [smem:$0x3FB7]  }
0x3d: {  	_ =	shalt  }
0x3e: {  	_ =	shalt  }
0x3f: {  	_ =	shalt  }
0x40: {  	_ =	shalt  }
0x41: {  	_ =	shalt  }
0x42: {  	_ =	shalt  }
0x43: {  	_ =	shalt  }
0x44: {  	_ =	shalt  }
0x45: {  	_ =	shalt  }
0x46: {  	_ =	shalt  }
0x47: {  	_ =	shalt  }
0x48: {  	_ =	shalt  }
0x49: {  	_ =	shalt  }
0x4a: {  	_ =	shalt  }
0x4b: {  	_ =	shalt  }
0x4c: {  	_ =	shalt  }
0x4d: {  	_ =	shalt  }
0x4e: {  	_ =	shalt  }
0x4f: {  	_ =	shalt  }
0x50: {  	_ =	shalt  }
0x51: {  	_ =	shalt  }
0x52: {  	_ =	shalt  }
0x53: {  	_ =	shalt  }
0x54: {  	_ =	shalt  }
0x55: {  	_ =	shalt  }
0x56: {  	_ =	shalt  }
0x57: {  	_ =	shalt  }
0x58: {  	_ =	shalt  }
0x59: {  	_ =	shalt  }
0x5a: {  	_ =	shalt  }
0x5b: {  	_ =	shalt  }
0x5c: {  	_ =	shalt  }
0x5d: {  	_ =	shalt  }
0x5e: {  	_ =	shalt  }
0x5f: {  	_ =	shalt  }
0x60: {  	_ =	shalt  }
0x61: {  	_ =	shalt  }
0x62: {  	_ =	shalt  }
0x63: {  	_ =	shalt  }
0x64: {  	_ =	shalt  }
0x65: {  	_ =	shalt  }
0x66: {  	_ =	shalt  }
0x67: {  	_ =	shalt  }
0x68: {  	_ =	shalt  }
0x69: {  	_ =	shalt  }
0x6a: {  	_ =	shalt  }
0x6b: {  	_ =	shalt  }
0x6c: {  	_ =	shalt  }
0x6d: {  	_ =	shalt  }
0x6e: {  	_ =	shalt  }
0x6f: {  	_ =	shalt  }
0x70: {  	_ =	shalt  }
0x71: {  	_ =	shalt  }
0x72: {  	_ =	shalt  }
0x73: {  	_ =	shalt  }
0x74: {  	_ =	shalt  }
0x75: {  	_ =	shalt  }
0x76: {  	_ =	shalt  }
0x77: {  	_ =	shalt  }
0x78: {  	_ =	shalt  }
0x79: {  	_ =	shalt  }
0x7a: {  	_ =	shalt  }
0x7b: {  	_ =	shalt  }
0x7c: {  	_ =	shalt  }
0x7d: {  	_ =	shalt  }
0x7e: {  	_ =	shalt  }
0x7f: {  	_ =	shalt  }
0x80: {  	_ =	shalt  }
0x81: {  	_ =	shalt  }
0x82: {  	_ =	shalt  }
0x83: {  	_ =	shalt  }
0x84: {  	_ =	shalt  }
0x85: {  	_ =	shalt  }
0x86: {  	_ =	shalt  }
0x87: {  	_ =	shalt  }
.Lfunc_end0:
.L_simem_size_0:
called_computation_lowered:
.L_overlay_start_0:
0x88: {  	s2 =	sld [smem:$0x3FD9]  }
0x89: {  	s3 =	sld [smem:$0x3FFE];
	_ =	sdelay $0x1  }
0x8a: {  	s1 =	srdreg.scid  }
0x8b: {  	s0 =	sand.u32 $0x1, s1  }
0x8c: {  	s17 =	sshll.u32 s0, $0xA;
	s2 =	sadd.s32 s3, s2  }
0x8d: {  	s2 =	sadd.s32 s2, s17  }
0x8e: {  	[smem:$0x3FC3] =	sst s2  }
0x8f: {  	_ = 	snop  }
0x90: {  	s2 =	sld [smem:$0x3FC9]  }
0x91: {  	s18 =	sld [smem:$0x3FD0];
	(tm) =	ssettm $0x1  }
0x92: {  	s4 =	sld [smem:$0x3FFB];
	_ =	sdelay $0x3  }
0x93: {  	_ =	strace s4  }
0x94: {  	s4 =	sld [smem:$0x3FFC];
	_ =	sdelay $0x3  }
0x95: {  	_ =	strace s4  }
0x96: {  	s4 =	sld [smem:$0x3FFD];
	_ =	sdelay $0x3  }
0x97: {  	_ =	strace s4  }
0x98: {  	_ =	strace $0x8FFFFFFF  }
0x99: {  	s19 =	sld [smem:$0x3FDB];
	_ =	sdelay $0x1  }
0x9a: {  	s5 =	simm.s32 $_scs_section_size  }
0x9b: {  	s6 =	simm.s32 $_size__tile_overlayer_lowered;
	s7 =	simm.s32 $_tile_overlayer_lowered  }
0x9c: {  	s22 =	simm.s32 $0x1BFF;
	s21 =	sshll.u32 s7, $0x1;
	s4 =	sadd.s32 s5, s19  }
0x9d: {  	s8 =	simm.s32 $0x0;
	s20 =	sshll.u32 s6, $0x1;
	s6 =	sadd.s32 s21, s4  }
0x9e: {  	[timem:s8], [sflag:s22] =	dma.local [hbm:s6], s20  }
0x9f: {  	_ =	swait.ge [sflag:s22], s20  }
0xa0: {  	s5 =	ssub.s32 $0x0, s20;
	[sflag:s22] =	ssyncset.done $0x0  }
0xa1: {  	[sflag:s22] =	ssyncadd.s32 s5;
	_ =	sdelay $0x1  }
0xa2: {  	s23 =	simm.s32 $0x1B8B  }
0xa3: {  	_ =	swait.ge [sflag:s23], $0x1  }
0xa4: {  	[sflag:s23] =	ssyncset.done $0x0  }
0xa5: {  	s25 =	simm.s32 $0x1B8E;
	s24 =	sld [smem:$0x3FFE];
	[sflag:s23] =	ssyncadd.s32 $0xFFFFFFFF  }
0xa6: {  	s26 =	simm.s32 $execute0_lowered;
	[smem:$0x3FD2] =	sst s25  }
0xa7: {  	s6 =	sshll.u32 s26, $0x1;
	_ =	strace $0x80000046;
	[dreg:$0x1] =	wrdreg $0xFFFFFFFF  }
0xa8: {  	s28 =	simm.s32 $_size_execute0_lowered;
	s4 =	sadd.s32 s4, s6;
	[dreg:$0x0] =	wrdreg $0x0  }
0xa9: {  	s6 =	sshll.u32 s28, $0x1;
	[dreg:$0x2] =	wrdreg s4  }
0xaa: {  	[dreg:$0x3] =	wrdreg s6  }
0xab: {  	[dreg:$0x4] =	wrdreg $0xC0  }
0xac: {  	_ =	task [dreg:s8], $0x5FFFF  }
0xad: {  	[dreg:$0x1] =	wrdreg $0xFFFFFFFF  }
0xae: {  	[dreg:$0x0] =	wrdreg $0x60  }
0xaf: {  	[dreg:$0x2] =	wrdreg s2  }
0xb0: {  	[dreg:$0x3] =	wrdreg s24  }
0xb1: {  	[dreg:$0x4] =	wrdreg s18  }
0xb2: {  	[dreg:$0x5] =	wrdreg $0x9  }
0xb3: {  	_ =	task.clear_ibuf [dreg:s8], $0x6FFFF;
	_ =	strace $0x90000046  }
0xb4: {  	s29 =	simm.s32 $0x9;
	_ =	strace $0x80000048  }
0xb5: {  	_ =	swait.ge [sflag:s29], $0x1  }
0xb6: {  	[sflag:s29] =	ssyncadd.s32 $0xFFFFFFFF  }
0xb7: {  	_ =	strace $0x90000048  }
0xb8: {  	_ =	sfence  }
0xb9: {  	s30 =	sld [smem:$0x0];
	_ =	sdelay $0x2  }
0xba: {  	s31 =	sshll.u32 s1, $0xD;
	s1 =	sshrl.u32 s1, $0x2  }
0xbb: {  	s3 =	sand.u32 $0x4000, s31;
	s1 =	sadd.s32 s1, s30  }
0xbc: {  	s0 =	sor.u32 s3, s0;
	s1 =	sshll.u32 s1, $0x11  }
0xbd: {  	s0 =	sor.u32 s1, s0  }
0xbe: {  	s0 =	sadd.s32 $0x8F2B, s0  }
0xbf: {  	[sflag:s0] =	ssyncadd.remote.s32 $0x1  }
0xc0: {  	_ =	sfence.sel $0xFFFF  }
0xc1: {  	[dreg:$0x0] =	wrdreg $0xFFFFFFFF;
	(pc) =	sbr.abs _section_cstart, $3  }
0xc2: {  	[dreg:$0x1] =	wrdreg $0xFFFFFFFF  }
0xc3: {  	_ =	task.clear_ibuf [dreg:s8], $0x2FFFF;
	_ =	strace $0x9FFFFFFF  }
0xc4: {  	(tm) =	ssettm $0x7FFFFFFF  }
0xc5: {  	_ =	shalt  }
tec
execute0_lowered:
.L_overlay_start_1:
0x0: {  	(tag) =	ssettag $0x1  }
0x1: {  	s1 =	rddreg [dreg:$0x0]  }
0x2: {  	s0 =	rddreg [dreg:$0x1]  }
0x3: {  	s16 =	rddreg [dreg:$0x2];
	s2 =	srdreg.scid  }
0x4: {  	s3 =	stileid.u32;
	s4 =	simm.s32 $0x0;
	s29 =	simm.s32 $0x200  }
0x5: {  	s30 =	simm.s32 $0x400;
	s28 =	simm.s32 $0x1;
	s31 =	simm.s32 $0x3  }
0x6: {  	s18 =	simm.s32 $0x4;
	s19 =	simm.s32 $0x16000;
	s2 =	sand.u32 $0x1, s2  }
0x7: {  	s3 =	sshll.u32 s3, $0x1;
	[smem:$0x7FF] =	sst s4;
	s7 =	sadd.s32 $0x200, s1  }
0x8: {  	s8 =	sadd.s32 $0x400, s1;
	s9 =	sadd.s32 $0x600, s1;
	s10 =	sadd.s32 $0x800, s1  }
0x9: {  	s11 =	sadd.s32 $0xA00, s1;
	s12 =	sadd.s32 $0xC00, s1;
	s13 =	sadd.s32 $0xE00, s1  }
0xa: {  	s15 =	sadd.s32 $0x40, s1;
	s17 =	sadd.s32 $0x40, s16;
	s16 =	simm.s32 $0x2  }
0xb: {  	s5 =	ssub.s32 $0x2, s2;
	s2 =	sor.u32 s2, s3;
	_ =	strace $0x80000047  }
.Ltmp0:
0xc: {  	s24 =	sshrl.u32 s5, $0x1;
	s6 =	sshll.u32 s2, $0xA;
	(pc) =	sbr.rel .LBB2_1-.Ltmp0, $4  }
0xd: {  	s3 =	ssub.s32 s5, s24;
	s5 =	sshll.u32 s2, $0x11;
	s0 =	sadd.s32 s0, s6  }
0xe: {  	v0 =	vlaneseq.u32;
	s6 =	simm.s32 $0x12000;
	[dreg:$0x4] =	wrdreg s0;
	s25 =	sadd.s32 s5, s15  }
0xf: {  	v1 =	vshrl.u32 v0, $0x2;
	s14 =	sadd.s32 s1, s5;
	s26 =	smax.u32 s3, $0x1;
	[dreg:$0x5] =	wrdreg s25  }
0x10: {  	vm0 =	vmmov $0xffff;
	v0 =	vand.u32 $0x3, v0;
	v1 =	vmul.u32 $0x8, v1;
	s3 =	simm.s32 $0x0;
	[dreg:$0x6] =	wrdreg s26;
	s26 =	simm.s32 $0xE000  }
.LBB2_8:
0x11: {  	s0 =	simm.s32 $0x5  }
0x12: {  	_ =	swait.ge [sflag:s0], $0x4000  }
0x13: {  	[sflag:s0] =	ssyncset.done $0x0  }
0x14: {  	s2 =	simm.s32 $0x6;
	[sflag:s0] =	ssyncadd.s32 $0xFFFFC000  }
0x15: {  	_ =	swait.ge [sflag:s2], $0x4000  }
0x16: {  	s3 =	rddreg [dreg:$0x7]  }
0x17: {  	s25 =	rddreg [dreg:$0x6];
	s3 =	sadd.s32 $0x1, s3  }
0x18: {  	p0 =	sne.s32 s3, s25  }
.Ltmp1:
0x19: {  	_ = 	snop;
	(pc) =	sbr.rel @!p0 .LBB2_9-.Ltmp1, $3  }
0x1a: {  	_ =	sdelay $0x1  }
0x1b: {  	[sflag:s2] =	ssyncset.done $0x0  }
0x1c: {  	[sflag:s2] =	ssyncadd.s32 $0xFFFFC000  }
.LBB2_1:
0x1d: {  	[dreg:$0x7] =	wrdreg s3  }
0x1e: {  	s0 =	rddreg [dreg:$0x4];
	s23 =	simm.s32 $0x7  }
0x1f: {  	[tilespmem:s4], [sflag:$0x7] =	stream.linear.gather [hbm4b:s0+s4], $0x2000, $0x38;
	[tilespmem:$0x1A000] =	vst v63  }
0x20: {  	_ =	swait.ge [sflag:s23], $0x2000  }
0x21: {  	[sflag:s23] =	ssyncset.done $0x0  }
0x22: {  	[sflag:s23] =	ssyncadd.s32 $0xFFFFE000  }
0x23: {  	v2 =	vld.msk [tilespmem:$0x0], $0xf;
	_ =	sdelay $0x4  }
0x24: {  	v3 =	vshll.u32 v2, $0x5  }
0x25: {  	v2 =	vand.u32 $0x7, v2;
	v3 =	vand.u32 $0xFFFFFF00, v3  }
0x26: {  	v2 =	vor.u32 v2, v3  }
0x27: {  	v2 =	vperm.xlane v2, v0;
	_ =	sdelay $0x1  }
0x28: {  	v2 =	vadd.s32 v1, v2;
	_ =	sdelay $0x3  }
0x29: {  	s24 =	simm.s32 $0x2000  }
0x2a: {  	[tilespmem:s24], [sflag:$0x1] =	stream.indirect_vreg.gather [hbm4b:s1+s4], $0x80, v2, vm0, $0xb8;
	[tilespmem:$0x1A000] =	vst v63  }
0x2b: {  	s25 =	simm.s32 $0x2800  }
0x2c: {  	[tilespmem:s25], [sflag:$0x1] =	stream.indirect_vreg.gather [hbm4b:s7+s4], $0x80, v2, vm0, $0xb8;
	[tilespmem:$0x1A000] =	vst v63  }
0x2d: {  	s2 =	simm.s32 $0x3000  }
0x2e: {  	[tilespmem:s2], [sflag:$0x1] =	stream.indirect_vreg.gather [hbm4b:s8+s4], $0x80, v2, vm0, $0xb8;
	[tilespmem:$0x1A000] =	vst v63  }
0x2f: {  	s3 =	simm.s32 $0x3800  }
0x30: {  	[tilespmem:s3], [sflag:$0x1] =	stream.indirect_vreg.gather [hbm4b:s9+s4], $0x80, v2, vm0, $0xb8;
	[tilespmem:$0x1A000] =	vst v63  }
0x31: {  	s20 =	simm.s32 $0x4000  }
0x32: {  	[tilespmem:s20], [sflag:$0x1] =	stream.indirect_vreg.gather [hbm4b:s10+s4], $0x80, v2, vm0, $0xb8;
	[tilespmem:$0x1A000] =	vst v63  }
0x33: {  	s21 =	simm.s32 $0x4800  }
0x34: {  	[tilespmem:s21], [sflag:$0x1] =	stream.indirect_vreg.gather [hbm4b:s11+s4], $0x80, v2, vm0, $0xb8;
	[tilespmem:$0x1A000] =	vst v63  }
0x35: {  	s22 =	simm.s32 $0x5000  }
0x36: {  	[tilespmem:s22], [sflag:$0x1] =	stream.indirect_vreg.gather [hbm4b:s12+s4], $0x80, v2, vm0, $0xb8;
	[tilespmem:$0x1A000] =	vst v63  }
0x37: {  	s23 =	simm.s32 $0x5800  }
0x38: {  	[tilespmem:s23], [sflag:$0x1] =	stream.indirect_vreg.gather [hbm4b:s13+s4], $0x80, v2, vm0, $0xb8;
	[tilespmem:$0x1A000] =	vst v63  }
0x39: {  	s24 =	simm.s32 $0xA000  }
0x3a: {  	[tilespmem:s24], [sflag:$0x3] =	stream.strided.gather [hbm4b:s14+s29], $0x4000, s30, s29, $0x38;
	[tilespmem:$0x1A000] =	vst v63  }
0x3b: {  	v2 =	vld.msk [tilespmem:$0x80], $0xf;
	_ =	sdelay $0x4  }
0x3c: {  	v3 =	vshll.u32 v2, $0x5  }
0x3d: {  	v2 =	vand.u32 $0x7, v2;
	v3 =	vand.u32 $0xFFFFFF00, v3  }
0x3e: {  	v2 =	vor.u32 v2, v3  }
0x3f: {  	v2 =	vperm.xlane v2, v0;
	_ =	sdelay $0x1  }
0x40: {  	v2 =	vadd.s32 v1, v2;
	_ =	sdelay $0x3  }
0x41: {  	s25 =	simm.s32 $0x6000  }
0x42: {  	[tilespmem:s25], [sflag:$0x2] =	stream.indirect_vreg.gather [hbm4b:s1+s4], $0x80, v2, vm0, $0xb8;
	[tilespmem:$0x1A000] =	vst v63  }
0x43: {  	s2 =	simm.s32 $0x6800  }
0x44: {  	[tilespmem:s2], [sflag:$0x2] =	stream.indirect_vreg.gather [hbm4b:s7+s4], $0x80, v2, vm0, $0xb8;
	[tilespmem:$0x1A000] =	vst v63  }
0x45: {  	s3 =	simm.s32 $0x7000  }
0x46: {  	[tilespmem:s3], [sflag:$0x2] =	stream.indirect_vreg.gather [hbm4b:s8+s4], $0x80, v2, vm0, $0xb8;
	[tilespmem:$0x1A000] =	vst v63  }
0x47: {  	s20 =	simm.s32 $0x7800  }
0x48: {  	[tilespmem:s20], [sflag:$0x2] =	stream.indirect_vreg.gather [hbm4b:s9+s4], $0x80, v2, vm0, $0xb8;
	[tilespmem:$0x1A000] =	vst v63  }
0x49: {  	s21 =	simm.s32 $0x8000  }
0x4a: {  	[tilespmem:s21], [sflag:$0x2] =	stream.indirect_vreg.gather [hbm4b:s10+s4], $0x80, v2, vm0, $0xb8;
	[tilespmem:$0x1A000] =	vst v63  }
0x4b: {  	s22 =	simm.s32 $0x8800  }
0x4c: {  	[tilespmem:s22], [sflag:$0x2] =	stream.indirect_vreg.gather [hbm4b:s11+s4], $0x80, v2, vm0, $0xb8;
	[tilespmem:$0x1A000] =	vst v63  }
0x4d: {  	s23 =	simm.s32 $0x9000  }
0x4e: {  	[tilespmem:s23], [sflag:$0x2] =	stream.indirect_vreg.gather [hbm4b:s12+s4], $0x80, v2, vm0, $0xb8;
	[tilespmem:$0x1A000] =	vst v63  }
0x4f: {  	s24 =	simm.s32 $0x9800  }
0x50: {  	[tilespmem:s24], [sflag:$0x2] =	stream.indirect_vreg.gather [hbm4b:s13+s4], $0x80, v2, vm0, $0xb8;
	[tilespmem:$0x1A000] =	vst v63  }
0x51: {  	s25 =	rddreg [dreg:$0x5];
	s3 =	simm.s32 $0x0  }
0x52: {  	[tilespmem:s26], [sflag:$0x4] =	stream.strided.gather [hbm4b:s25+s29], $0x4000, s30, s29, $0x38;
	[tilespmem:$0x1A000] =	vst v63  }
.LBB2_2:
0x53: {  	_ =	swait.ge [sflag:s28], $0x4000  }
0x54: {  	[sflag:s28] =	ssyncset.done $0x0  }
0x55: {  	[sflag:s28] =	ssyncadd.s32 $0xFFFFC000  }
0x56: {  	_ =	swait.ge [sflag:s31], $0x4000  }
0x57: {  	p0 =	seq.s32 s3, $0x0;
	[sflag:s31] =	ssyncset.done $0x0  }
0x58: {  	s0 =	simm.s32 @!p0 $0x5;
	[sflag:s31] =	ssyncadd.s32 $0xFFFFC000  }
0x59: {  	s2 =	simm.s32 $0x0;
	_ =	swait.ge @!p0 [sflag:s0], $0x4000  }
0x5a: {  	s20 =	sand.u32 $0x70, s2;
	s2 =	sand.u32 $0x3E00, s2;
	[sflag:s0] =	ssyncset.done @!p0 $0x0  }
0x5b: {  	s2 =	sor.u32 s20, s2;
	[sflag:s0] =	ssyncadd.s32 @!p0 $0xFFFFC000  }
0x5c: {  	v7 =	vld [tilespmem:s2+$0xA180]  }
0x5d: {  	v8 =	vld [tilespmem:s2+$0x2180]  }
0x5e: {  	v3 =	vld [tilespmem:s2+$0xA000]  }
0x5f: {  	v6 =	vld [tilespmem:s2+$0x2000]  }
0x60: {  	v2 =	vld [tilespmem:s2+$0xA080]  }
0x61: {  	s24 =	simm.s32 $0x10;
	s21 =	simm.s32 $0x40;
	v5 =	vld [tilespmem:s2+$0x2080]  }
0x62: {  	s25 =	sand.u32 $0x70, s24;
	s22 =	sand.u32 $0x3E00, s21;
	v4 =	vld [tilespmem:s2+$0xA100];
	v8 =	vadd.f32 v8, v7  }
0x63: {  	s20 =	sor.u32 s25, s22;
	s22 =	simm.s32 $0x20;
	s0 =	sshll.u32 s3, $0x1;
	v7 =	vld [tilespmem:s2+$0x2100]  }
.LBB2_3:
0x64: {  	p1 =	sne.s32 s22, $0xFF0;
	v9 =	vld [tilespmem:s20+$0xA180];
	v6 =	vadd.f32 v6, v3;
	[tilespmem:s2+$0x12180] =	vst v8  }
0x65: {  	v8 =	vld [tilespmem:s20+$0x2180]  }
0x66: {  	v3 =	vld [tilespmem:s20+$0xA000];
	[tilespmem:s2+$0x12000] =	vst v6;
	v5 =	vadd.f32 v5, v2  }
.Ltmp2:
0x67: {  	v6 =	vld [tilespmem:s20+$0x2000];
	(pc) =	sbr.rel @p1 .LBB2_3-.Ltmp2, $4  }
0x68: {  	v2 =	vld [tilespmem:s20+$0xA080];
	[tilespmem:s2+$0x12080] =	vst v5;
	v7 =	vadd.f32 v7, v4  }
0x69: {  	s21 =	sadd.s32 $0x40, s21;
	v5 =	vld [tilespmem:s20+$0x2080]  }
0x6a: {  	s23 =	sand.u32 $0x70, s22;
	s24 =	sand.u32 $0x3E00, s21;
	v4 =	vld [tilespmem:s20+$0xA100];
	v8 =	vadd.f32 v8, v9;
	[tilespmem:s2+$0x12100] =	vst v7;
	s2 =	smov.u32 s20  }
0x6b: {  	s22 =	sadd.s32 $0x10, s22;
	s20 =	sor.u32 s23, s24;
	v7 =	vld [tilespmem:s2+$0x2100]  }
0x6c: {  	v9 =	vld [tilespmem:s20+$0xA180];
	[tilespmem:s2+$0x12180] =	vst v8;
	v3 =	vadd.f32 v6, v3  }
0x6d: {  	v6 =	vld [tilespmem:s20+$0x2180]  }
0x6e: {  	v8 =	vld [tilespmem:s20+$0xA000];
	[tilespmem:s2+$0x12000] =	vst v3;
	v2 =	vadd.f32 v5, v2  }
0x6f: {  	v3 =	vld [tilespmem:s20+$0x2000]  }
0x70: {  	v5 =	vld [tilespmem:s20+$0xA080];
	[tilespmem:s2+$0x12080] =	vst v2;
	v2 =	vadd.f32 v7, v4  }
0x71: {  	v4 =	vld [tilespmem:s20+$0x2080]  }
0x72: {  	v7 =	vld [tilespmem:s20+$0xA100];
	[tilespmem:s2+$0x12100] =	vst v2  }
0x73: {  	v2 =	vld [tilespmem:s20+$0x2100];
	_ =	sdelay $0x1  }
0x74: {  	v6 =	vadd.f32 v6, v9  }
0x75: {  	v3 =	vadd.f32 v3, v8  }
0x76: {  	[tilespmem:s20+$0x12180] =	vst v6;
	v4 =	vadd.f32 v4, v5  }
0x77: {  	s25 =	sshll.u32 s3, $0xC;
	[tilespmem:s20+$0x12000] =	vst v3;
	v2 =	vadd.f32 v2, v7  }
0x78: {  	s21 =	rddreg [dreg:$0x2];
	s2 =	sadd.s32 s5, s25;
	[tilespmem:s20+$0x12080] =	vst v4  }
0x79: {  	p1 =	seq.s32 s3, $0x1F;
	[tilespmem:s20+$0x12100] =	vst v2;
	s20 =	sadd.s32 s21, s2  }
0x7a: {  	[hbm4b:s20+s29] =	stream.strided.scatter [tilespmem:s6], [sflag:$0x5], $0x4000, s30, s29, $0x38;
	[tilespmem:$0x1A000] =	vst v63  }
0x7b: {  	s20 =	sadd.s32 @!p1 $0x2, s0  }
0x7c: {  	s21 =	sshll.u32 @!p1 s20, $0x7  }
0x7d: {  	s21 =	sand.u32 @!p1 $0x3FFFFF80, s21  }
0x7e: {  	v2 =	vld.msk @!p1 [tilespmem:s21+$0x0], $0xf;
	_ =	sdelay $0x4  }
0x7f: {  	v3 =	vshll.u32 @!p1 v2, $0x5  }
0x80: {  	v4 =	vlaneseq.u32 @!p1;
	v2 =	vand.u32 @!p1 $0x7, v2;
	v3 =	vand.u32 @!p1 $0xFFFFFF00, v3  }
0x81: {  	v2 =	vor.u32 @!p1 v2, v3;
	v3 =	vand.u32 @!p1 $0x3, v4;
	v4 =	vshrl.u32 @!p1 v4, $0x2  }
0x82: {  	v2 =	vperm.xlane @!p1 v2, v3;
	v3 =	vmul.u32 @!p1 $0x8, v4;
	_ =	sdelay $0x1  }
0x83: {  	v2 =	vadd.s32 @!p1 v3, v2;
	_ =	sdelay $0x3  }
0x84: {  	vm1 =	vmmov @!p1 $0xffff;
	s22 =	simm.s32 @!p1 $0x2000;
	s21 =	simm.s32 @!p1 $0x0  }
0x85: {  	[tilespmem:s22], [sflag:$0x1] =	stream.indirect_vreg.gather @!p1 [hbm4b:s1+s21], $0x80, v2, vm1, $0xb8;
	[tilespmem:$0x1A000] =	vst v63  }
0x86: {  	s22 =	simm.s32 @!p1 $0x2800  }
0x87: {  	[tilespmem:s22], [sflag:$0x1] =	stream.indirect_vreg.gather @!p1 [hbm4b:s7+s21], $0x80, v2, vm1, $0xb8;
	[tilespmem:$0x1A000] =	vst v63  }
0x88: {  	s22 =	simm.s32 @!p1 $0x3000  }
0x89: {  	[tilespmem:s22], [sflag:$0x1] =	stream.indirect_vreg.gather @!p1 [hbm4b:s8+s21], $0x80, v2, vm1, $0xb8;
	[tilespmem:$0x1A000] =	vst v63  }
0x8a: {  	s22 =	simm.s32 @!p1 $0x3800  }
0x8b: {  	[tilespmem:s22], [sflag:$0x1] =	stream.indirect_vreg.gather @!p1 [hbm4b:s9+s21], $0x80, v2, vm1, $0xb8;
	[tilespmem:$0x1A000] =	vst v63  }
0x8c: {  	s22 =	simm.s32 @!p1 $0x4000  }
0x8d: {  	[tilespmem:s22], [sflag:$0x1] =	stream.indirect_vreg.gather @!p1 [hbm4b:s10+s21], $0x80, v2, vm1, $0xb8;
	[tilespmem:$0x1A000] =	vst v63  }
0x8e: {  	s22 =	simm.s32 @!p1 $0x4800  }
0x8f: {  	[tilespmem:s22], [sflag:$0x1] =	stream.indirect_vreg.gather @!p1 [hbm4b:s11+s21], $0x80, v2, vm1, $0xb8;
	[tilespmem:$0x1A000] =	vst v63  }
0x90: {  	s22 =	simm.s32 @!p1 $0x5000  }
0x91: {  	[tilespmem:s22], [sflag:$0x1] =	stream.indirect_vreg.gather @!p1 [hbm4b:s12+s21], $0x80, v2, vm1, $0xb8;
	[tilespmem:$0x1A000] =	vst v63  }
0x92: {  	s23 =	simm.s32 @!p1 $0xA000;
	s20 =	sshll.u32 @!p1 s20, $0xB;
	s22 =	simm.s32 @!p1 $0x5800  }
0x93: {  	[tilespmem:s22], [sflag:$0x1] =	stream.indirect_vreg.gather @!p1 [hbm4b:s13+s21], $0x80, v2, vm1, $0xb8;
	[tilespmem:$0x1A000] =	vst v63  }
0x94: {  	s20 =	sadd.s32 @!p1 s20, s14;
	s21 =	simm.s32 @!p1 $0x200;
	s22 =	simm.s32 @!p1 $0x400  }
0x95: {  	[tilespmem:s23], [sflag:$0x3] =	stream.strided.gather @!p1 [hbm4b:s20+s21], $0x4000, s22, s21, $0x38;
	[tilespmem:$0x1A000] =	vst v63  }
0x96: {  	_ =	swait.ge [sflag:s16], $0x4000  }
0x97: {  	[sflag:s16] =	ssyncset.done $0x0  }
0x98: {  	[sflag:s16] =	ssyncadd.s32 $0xFFFFC000  }
0x99: {  	_ =	swait.ge [sflag:s18], $0x4000  }
0x9a: {  	[sflag:s18] =	ssyncset.done $0x0  }
0x9b: {  	s20 =	simm.s32 @!p0 $0x6;
	[sflag:s18] =	ssyncadd.s32 $0xFFFFC000  }
0x9c: {  	s22 =	simm.s32 $0x0;
	_ =	swait.ge @!p0 [sflag:s20], $0x4000  }
0x9d: {  	s23 =	sand.u32 $0x70, s22;
	s21 =	sand.u32 $0x3E00, s22;
	[sflag:s20] =	ssyncset.done @!p0 $0x0  }
0x9e: {  	[sflag:s20] =	ssyncadd.s32 @!p0 $0xFFFFC000;
	s20 =	sor.u32 s23, s21  }
0x9f: {  	v7 =	vld [tilespmem:s20+$0xE180]  }
0xa0: {  	v8 =	vld [tilespmem:s20+$0x6180]  }
0xa1: {  	v3 =	vld [tilespmem:s20+$0xE000]  }
0xa2: {  	v6 =	vld [tilespmem:s20+$0x6000]  }
0xa3: {  	v2 =	vld [tilespmem:s20+$0xE080]  }
0xa4: {  	s24 =	simm.s32 $0x10;
	s22 =	simm.s32 $0x40;
	v5 =	vld [tilespmem:s20+$0x6080]  }
0xa5: {  	s25 =	sand.u32 $0x3E00, s22;
	s21 =	sand.u32 $0x70, s24;
	v4 =	vld [tilespmem:s20+$0xE100];
	v8 =	vadd.f32 v8, v7  }
0xa6: {  	s23 =	simm.s32 $0x20;
	s21 =	sor.u32 s21, s25;
	v7 =	vld [tilespmem:s20+$0x6100]  }
.LBB2_5:
0xa7: {  	p0 =	sne.s32 s23, $0xFF0;
	v9 =	vld [tilespmem:s21+$0xE180];
	v6 =	vadd.f32 v6, v3;
	[tilespmem:s20+$0x16180] =	vst v8  }
0xa8: {  	v8 =	vld [tilespmem:s21+$0x6180]  }
0xa9: {  	v3 =	vld [tilespmem:s21+$0xE000];
	[tilespmem:s20+$0x16000] =	vst v6;
	v5 =	vadd.f32 v5, v2  }
.Ltmp3:
0xaa: {  	v6 =	vld [tilespmem:s21+$0x6000];
	(pc) =	sbr.rel @p0 .LBB2_5-.Ltmp3, $4  }
0xab: {  	v2 =	vld [tilespmem:s21+$0xE080];
	[tilespmem:s20+$0x16080] =	vst v5;
	v7 =	vadd.f32 v7, v4  }
0xac: {  	s22 =	sadd.s32 $0x40, s22;
	v5 =	vld [tilespmem:s21+$0x6080]  }
0xad: {  	s24 =	sand.u32 $0x70, s23;
	s25 =	sand.u32 $0x3E00, s22;
	v4 =	vld [tilespmem:s21+$0xE100];
	v8 =	vadd.f32 v8, v9;
	[tilespmem:s20+$0x16100] =	vst v7;
	s20 =	smov.u32 s21  }
0xae: {  	s23 =	sadd.s32 $0x10, s23;
	s21 =	sor.u32 s24, s25;
	v7 =	vld [tilespmem:s20+$0x6100]  }
0xaf: {  	v9 =	vld [tilespmem:s21+$0xE180];
	[tilespmem:s20+$0x16180] =	vst v8;
	v3 =	vadd.f32 v6, v3  }
0xb0: {  	v60 =	vld [tilespmem:s21+$0x6180]  }
0xb1: {  	v8 =	vld [tilespmem:s21+$0xE000];
	[tilespmem:s20+$0x16000] =	vst v3;
	v2 =	vadd.f32 v5, v2  }
0xb2: {  	v3 =	vld [tilespmem:s21+$0x6000]  }
0xb3: {  	v61 =	vld [tilespmem:s21+$0xE080];
	[tilespmem:s20+$0x16080] =	vst v2;
	v2 =	vadd.f32 v7, v4  }
0xb4: {  	v62 =	vld [tilespmem:s21+$0x6080]  }
0xb5: {  	v63 =	vld [tilespmem:s21+$0xE100];
	[tilespmem:s20+$0x16100] =	vst v2  }
0xb6: {  	v2 =	vld [tilespmem:s21+$0x6100];
	_ =	sdelay $0x1  }
0xb7: {  	v6 =	vadd.f32 v60, v9  }
0xb8: {  	v3 =	vadd.f32 v3, v8  }
.Ltmp4:
0xb9: {  	[tilespmem:s21+$0x16180] =	vst v6;
	v4 =	vadd.f32 v62, v61;
	(pc) =	sbr.rel @p1 .LBB2_8-.Ltmp4, $4  }
0xba: {  	[tilespmem:s21+$0x16000] =	vst v3;
	v2 =	vadd.f32 v2, v63  }
0xbb: {  	[tilespmem:s21+$0x16080] =	vst v4  }
0xbc: {  	s2 =	sadd.s32 s2, s17;
	[tilespmem:s21+$0x16100] =	vst v2  }
0xbd: {  	[hbm4b:s2+s29] =	stream.strided.scatter [tilespmem:s19], [sflag:$0x6], $0x4000, s30, s29, $0x38;
	[tilespmem:$0x1A000] =	vst v63  }
0xbe: {  	s0 =	sadd.s32 $0x3, s0  }
0xbf: {  	s2 =	sshll.u32 s0, $0x7  }
0xc0: {  	s2 =	sand.u32 $0x3FFFFF80, s2  }
0xc1: {  	v2 =	vld.msk [tilespmem:s2+$0x0], $0xf;
	_ =	sdelay $0x4  }
0xc2: {  	v3 =	vshll.u32 v2, $0x5  }
0xc3: {  	v2 =	vand.u32 $0x7, v2;
	v3 =	vand.u32 $0xFFFFFF00, v3  }
0xc4: {  	v2 =	vor.u32 v2, v3  }
0xc5: {  	v2 =	vperm.xlane v2, v0;
	_ =	sdelay $0x1  }
0xc6: {  	v2 =	vadd.s32 v1, v2;
	_ =	sdelay $0x3  }
0xc7: {  	s24 =	simm.s32 $0x6000  }
0xc8: {  	[tilespmem:s24], [sflag:$0x2] =	stream.indirect_vreg.gather [hbm4b:s1+s4], $0x80, v2, vm0, $0xb8;
	[tilespmem:$0x1A000] =	vst v63  }
0xc9: {  	s25 =	simm.s32 $0x6800  }
0xca: {  	[tilespmem:s25], [sflag:$0x2] =	stream.indirect_vreg.gather [hbm4b:s7+s4], $0x80, v2, vm0, $0xb8;
	[tilespmem:$0x1A000] =	vst v63  }
0xcb: {  	s20 =	simm.s32 $0x7000  }
0xcc: {  	[tilespmem:s20], [sflag:$0x2] =	stream.indirect_vreg.gather [hbm4b:s8+s4], $0x80, v2, vm0, $0xb8;
	[tilespmem:$0x1A000] =	vst v63  }
0xcd: {  	s21 =	simm.s32 $0x7800  }
0xce: {  	[tilespmem:s21], [sflag:$0x2] =	stream.indirect_vreg.gather [hbm4b:s9+s4], $0x80, v2, vm0, $0xb8;
	[tilespmem:$0x1A000] =	vst v63  }
0xcf: {  	s22 =	simm.s32 $0x8000  }
0xd0: {  	[tilespmem:s22], [sflag:$0x2] =	stream.indirect_vreg.gather [hbm4b:s10+s4], $0x80, v2, vm0, $0xb8;
	[tilespmem:$0x1A000] =	vst v63  }
0xd1: {  	s23 =	simm.s32 $0x8800  }
0xd2: {  	[tilespmem:s23], [sflag:$0x2] =	stream.indirect_vreg.gather [hbm4b:s11+s4], $0x80, v2, vm0, $0xb8;
	[tilespmem:$0x1A000] =	vst v63  }
0xd3: {  	s0 =	sshll.u32 s0, $0xB;
	s24 =	simm.s32 $0x9000  }
0xd4: {  	[tilespmem:s24], [sflag:$0x2] =	stream.indirect_vreg.gather [hbm4b:s12+s4], $0x80, v2, vm0, $0xb8;
	[tilespmem:$0x1A000] =	vst v63  }
.Ltmp5:
0xd5: {  	s0 =	sadd.s32 s5, s0;
	(pc) =	sbr.rel .LBB2_2-.Ltmp5, $4  }
0xd6: {  	s0 =	sand.u32 $0x7FF000, s0;
	s25 =	simm.s32 $0x9800  }
0xd7: {  	[tilespmem:s25], [sflag:$0x2] =	stream.indirect_vreg.gather [hbm4b:s13+s4], $0x80, v2, vm0, $0xb8;
	[tilespmem:$0x1A000] =	vst v63  }
0xd8: {  	s3 =	sadd.s32 $0x1, s3;
	s0 =	sadd.s32 s0, s15  }
0xd9: {  	[tilespmem:s26], [sflag:$0x4] =	stream.strided.gather [hbm4b:s0+s29], $0x4000, s30, s29, $0x38;
	[tilespmem:$0x1A000] =	vst v63  }
.LBB2_9:
0xda: {  	_ =	sfence.sel $0x180000  }
0xdb: {  	[bflag:$0x0] =	sbarrier.arrive $0xFFFF  }
0xdc: {  	_ =	strace $0x90000047  }
0xdd: {  	s0 =	stileid.u32;
	[bflag:$0x2] =	sbarrier.arrive $0xFFFF  }
0xde: {  	p0 =	sne.s32 s0, $0x0;
	s0 =	rddreg [dreg:$0x3]  }
0xdf: {  	s0 =	sadd.s32 @!p0 $0x100000, s0  }
0xe0: {  	[sflag:s0] =	ssyncadd.tile.s32 @!p0 $0x1;
	_ =	shalt  }
.Lfunc_end2:
_tile_overlayer_lowered:
.L_overlay_start_2:
0xe1: {  	(tag) =	ssettag $0x2  }
0xe2: {  	s0 =	rddreg [dreg:$0x0];
	s2 =	stileid.u32  }
0xe3: {  	s1 =	rddreg [dreg:$0x1];
	p0 =	sne.s32 s2, $0x0  }
0xe4: {  	s3 =	rddreg [dreg:$0x2];
	[bflag:$0x3] =	sbarrier.arrive $0xFFFF;
	s2 =	simm.s32 @!p0 $0x1C07  }
0xe5: {  	[timem:s3], [sflag:s2] =	dma.local @!p0 [hbm:s0], s1  }
0xe6: {  	s0 =	simm.s32 @!p0 $0x7  }
0xe7: {  	_ =	swait.ge @!p0 [sflag:s0], s1  }
0xe8: {  	s1 =	ssub.s32 @!p0 $0x0, s1;
	[sflag:s0] =	ssyncset.done @!p0 $0x0  }
0xe9: {  	[sflag:s0] =	ssyncadd.s32 @!p0 s1  }
0xea: {  	[bflag:$0x3] =	sbarrier.arrive $0xFFFF  }
0xeb: {  	_ =	shalt  }

</sc_bundles>
